<compile_context>
chip_gen: v7x
topology: tpu7x:2x2x1
jax: 0.10.2.dev20260603
libtpu: 0.0.44.dev20260713+nightly
codegen_flags: <defaults>
</compile_context>

<pallas_src>
import functools

import jax
import jax.numpy as jnp
from jax import lax
from jax.experimental import pallas as pl
from jax.experimental.pallas import tpu as pltpu
from jax.experimental.pallas import tpu_sc as plsc

D_MODEL = 128
G = 128
NB = 2


@functools.cache
def _make_gather(B: int):
    info = plsc.get_sparse_core_info()
    nc, ns = info.num_cores, info.num_subcores
    nw = nc * ns
    b_per_w = B // nw
    n_g = b_per_w // G
    assert b_per_w * nw == B and n_g * G == b_per_w and n_g % NB == 0

    n_rounds = n_g // NB
    assert n_rounds % 2 == 0 and n_rounds >= 6
    mesh = plsc.VectorSubcoreMesh(core_axis_name="c", subcore_axis_name="s")
    scratch = [pltpu.VMEM((n_g, G), jnp.int32)]
    scratch += [pltpu.VMEM((NB * G, D_MODEL), jnp.float32) for _ in range(2)]
    scratch += [pltpu.SemaphoreType.DMA for _ in range(2 * NB + 2)]

    @functools.partial(
        pl.kernel,
        out_type=jax.ShapeDtypeStruct((B, D_MODEL), jnp.float32),
        mesh=mesh,
        scratch_types=scratch,
    )
    def k(table_hbm, idx_hbm, out_hbm, idx_v, *bufs_sems):
        bufs = bufs_sems[:2]
        gsems = bufs_sems[2 : 2 + 2 * NB]
        osems = bufs_sems[2 + 2 * NB :]
        wid = lax.axis_index("s") * nc + lax.axis_index("c")
        base = wid * b_per_w
        pltpu.sync_copy(idx_hbm.at[wid], idx_v)

        def gather(g, parity, i):
            pltpu.async_copy(
                table_hbm.at[idx_v.at[g]],
                bufs[parity].at[pl.ds(i * G, G)],
                gsems[parity * NB + i],
            )

        def wait_gather(parity, i):
            pltpu.make_async_copy(
                table_hbm.at[pl.ds(0, G)],
                bufs[parity].at[pl.ds(i * G, G)],
                gsems[parity * NB + i],
            ).wait()

        def out_start(r, parity):
            pltpu.async_copy(
                bufs[parity], out_hbm.at[pl.ds(base + r * NB * G, NB * G)], osems[parity]
            )

        def wait_out(parity):
            pltpu.make_async_copy(
                bufs[parity], out_hbm.at[pl.ds(base, NB * G)], osems[parity]
            ).wait()

        def round_body(r, parity, fire_next=True, wait_oth=True):
            for i in range(NB):
                wait_gather(parity, i)
            out_start(r, parity)
            if wait_oth:
                wait_out(1 - parity)
            if fire_next:
                for i in range(NB):
                    gather((r + 1) * NB + i, 1 - parity, i)

        for i in range(NB):
            gather(i, 0, i)
        round_body(0, 0, fire_next=True, wait_oth=False)
        round_body(1, 1)

        def dbl(i, carry):
            r = 2 + 2 * i
            round_body(r, 0)
            round_body(r + 1, 1)
            return carry

        lax.fori_loop(0, (n_rounds - 4) // 2, dbl, 0)

        round_body(n_rounds - 2, 0)
        round_body(n_rounds - 1, 1, fire_next=False)
        wait_out(1)

    return k


def kernel(table, event):
    bsz, seq = event.shape
    B = bsz * seq
    idx = event.reshape(-1).astype(jnp.int32)
    info = plsc.get_sparse_core_info()
    nw = info.num_cores * info.num_subcores
    idx3 = idx.reshape(nw, B // nw // G, G)
    out = _make_gather(B)(table, idx3)
    return out.reshape(bsz, seq, D_MODEL)

# --- scband reference (transcript-rebuilt; emitter-appended) ---
"""Pipeline reference for scband-event-encoder-14482629722725 (READ-ONLY COPY).

The authoritative reference and input builder live on the scoring server;
editing this copy changes nothing except your own understanding.
"""

import jax, jax.numpy as jnp
import numpy as np

PAD = 0
D_MODEL = 128
NUM_TYPES = 100000

def setup_inputs(seed: int = 0) -> dict:
    key = jax.random.key(seed)
    k1, k2 = jax.random.split(key)
    event = jax.random.randint(k1, (4096, 200), 0, NUM_TYPES + 1, dtype=jnp.int64)
    # nn.Embedding weight: normal(0,1) init; padding_idx row zeroed
    table = jax.random.normal(k2, (NUM_TYPES + 1, D_MODEL), dtype=jnp.float32)
    table = table.at[PAD].set(0.0)
    return {"table": table, "event": event}

def reference(table, event):
    idx = event.astype(jnp.int64)
    emb = jnp.take(table, idx, axis=0)
    # padding_idx semantics: embedding at PAD is zero
    mask = (idx != PAD)[..., None].astype(emb.dtype)
    return emb * mask

if __name__ == "__main__":
    import jax
    _d = setup_inputs()
    print(jax.jit(kernel)(*tuple(_d.values())))

</pallas_src>

<mosaic_0001>
#map = affine_map<(d0, d1) -> (0, 0)>
#map1 = affine_map<(d0, d1) -> (0, 0, 0)>
module attributes {stable_mosaic.version = 14 : i64} {
  func.func @k(%arg0: i32, %arg1: i32, %arg2: memref<100001x128xf32, #tpu.memory_space<hbm>>, %arg3: memref<32x200x128xi32, #tpu.memory_space<hbm>>, %arg4: memref<819200x128xf32, #tpu.memory_space<hbm>>, %arg5: memref<200x128xi32, #tpu.memory_space<vmem>>, %arg6: memref<256x128xf32, #tpu.memory_space<vmem>>, %arg7: memref<256x128xf32, #tpu.memory_space<vmem>>, %arg8: memref<!tpu.dma_semaphore, #tpu.memory_space<semaphore_mem>>, %arg9: memref<!tpu.dma_semaphore, #tpu.memory_space<semaphore_mem>>, %arg10: memref<!tpu.dma_semaphore, #tpu.memory_space<semaphore_mem>>, %arg11: memref<!tpu.dma_semaphore, #tpu.memory_space<semaphore_mem>>, %arg12: memref<!tpu.dma_semaphore, #tpu.memory_space<semaphore_mem>>, %arg13: memref<!tpu.dma_semaphore, #tpu.memory_space<semaphore_mem>>) attributes {dimension_semantics = [#tpu.dimension_semantics<core_parallel>, #tpu.dimension_semantics<subcore_parallel>], iteration_bounds = array<i64: 2, 16>, scalar_prefetch = 0 : i64, scratch_operands = 9 : i64, tpu.core_type = #tpu.core_type<sc_vector_subcore>, window_params = [{transform_indices = #map}, {transform_indices = #map1}, {transform_indices = #map}]} {
    %mul3A = arith.constant 2 : i32
    %mul3A_0 = arith.muli %arg1, %mul3A : i32
    %add3A = arith.addi %mul3A_0, %arg0 : i32
    %mul3A_1 = arith.constant 25600 : i32
    %mul3A_2 = arith.muli %add3A, %mul3A_1 : i32
    "tpu.region"() ({
      %run_scoped3A = tpu.sem_alloc : memref<!tpu.dma_semaphore, #tpu.memory_space<semaphore_mem>>
      %dma_start3A_222 = arith.constant 0 : i32
      %dma_start3A_223 = arith.constant 0 : i32
      %dma_start3A_224 = tpu.memref_slice %arg3[%add3A, %dma_start3A_222, %dma_start3A_223] : memref<32x200x128xi32, #tpu.memory_space<hbm>> -> memref<1x200x128xi32, #tpu.memory_space<hbm>>
      %dma_start3A_225 = tpu.memref_squeeze %dma_start3A_224 : memref<1x200x128xi32, #tpu.memory_space<hbm>> -> memref<200x128xi32, #tpu.memory_space<hbm>>
      %dma_start3A_226 = arith.constant 0 : i32
      %dma_start3A_227 = arith.constant 0 : i32
      %dma_start3A_228 = tpu.memref_slice %arg3[%add3A, %dma_start3A_226, %dma_start3A_227] : memref<32x200x128xi32, #tpu.memory_space<hbm>> -> memref<1x200x128xi32, #tpu.memory_space<hbm>>
      %dma_start3A_229 = tpu.memref_squeeze %dma_start3A_228 : memref<1x200x128xi32, #tpu.memory_space<hbm>> -> memref<200x128xi32, #tpu.memory_space<hbm>>
      tpu.enqueue_dma source(%dma_start3A_229 : memref<200x128xi32, #tpu.memory_space<hbm>>) target(%arg5 : memref<200x128xi32, #tpu.memory_space<vmem>>) target_semaphore(%run_scoped3A : memref<!tpu.dma_semaphore, #tpu.memory_space<semaphore_mem>>)
      %dma_wait3A_230 = arith.constant 0 : i32
      %dma_wait3A_231 = arith.constant 0 : i32
      %dma_wait3A_232 = tpu.memref_slice %arg3[%add3A, %dma_wait3A_230, %dma_wait3A_231] : memref<32x200x128xi32, #tpu.memory_space<hbm>> -> memref<1x200x128xi32, #tpu.memory_space<hbm>>
      %dma_wait3A_233 = tpu.memref_squeeze %dma_wait3A_232 : memref<1x200x128xi32, #tpu.memory_space<hbm>> -> memref<200x128xi32, #tpu.memory_space<hbm>>
      %dma_wait3A_234 = arith.constant 0 : i32
      %dma_wait3A_235 = arith.constant 0 : i32
      %dma_wait3A_236 = tpu.memref_slice %arg3[%add3A, %dma_wait3A_234, %dma_wait3A_235] : memref<32x200x128xi32, #tpu.memory_space<hbm>> -> memref<1x200x128xi32, #tpu.memory_space<hbm>>
      %dma_wait3A_237 = tpu.memref_squeeze %dma_wait3A_236 : memref<1x200x128xi32, #tpu.memory_space<hbm>> -> memref<200x128xi32, #tpu.memory_space<hbm>>
      tpu.wait_dma2 semaphore(%run_scoped3A : memref<!tpu.dma_semaphore, #tpu.memory_space<semaphore_mem>>) src(%dma_wait3A_237 : memref<200x128xi32, #tpu.memory_space<hbm>>) dst(%arg5 : memref<200x128xi32, #tpu.memory_space<vmem>>)
      tpu.yield
    }) : () -> ()
    %dma_start3A = arith.constant 0 : i32
    %dma_start3A_3 = arith.constant 0 : i32
    %dma_start3A_4 = arith.constant 0 : i32
    %dma_start3A_5 = tpu.memref_slice %arg6[%dma_start3A_3, %dma_start3A_4] : memref<256x128xf32, #tpu.memory_space<vmem>> -> memref<128x128xf32, #tpu.memory_space<vmem>>
    %dma_start3A_6 = arith.constant 0 : i32
    %dma_start3A_7 = tpu.memref_slice %arg5[%dma_start3A, %dma_start3A_6] : memref<200x128xi32, #tpu.memory_space<vmem>> -> memref<1x128xi32, #tpu.memory_space<vmem>>
    %dma_start3A_8 = tpu.memref_squeeze %dma_start3A_7 : memref<1x128xi32, #tpu.memory_space<vmem>> -> memref<128xi32, #tpu.memory_space<vmem>>
    %dma_start3A_9 = arith.constant 0 : i32
    %dma_start3A_10 = arith.constant 0 : i32
    %dma_start3A_11 = tpu.memref_slice %arg2[%dma_start3A_9, %dma_start3A_10] : memref<100001x128xf32, #tpu.memory_space<hbm>> -> memref<100001x128xf32, #tpu.memory_space<hbm>>
    tpu.enqueue_indirect_dma source(%dma_start3A_11 : memref<100001x128xf32, #tpu.memory_space<hbm>>) target(%dma_start3A_5 : memref<128x128xf32, #tpu.memory_space<vmem>>) offsets(%dma_start3A_8 : memref<128xi32, #tpu.memory_space<vmem>>) semaphore(%arg8 : memref<!tpu.dma_semaphore, #tpu.memory_space<semaphore_mem>>)
    %dma_start3A_12 = arith.constant 1 : i32
    %dma_start3A_13 = arith.constant 128 : i32
    %dma_start3A_14 = arith.constant 0 : i32
    %dma_start3A_15 = tpu.memref_slice %arg6[%dma_start3A_13, %dma_start3A_14] : memref<256x128xf32, #tpu.memory_space<vmem>> -> memref<128x128xf32, #tpu.memory_space<vmem>>
    %dma_start3A_16 = arith.constant 0 : i32
    %dma_start3A_17 = tpu.memref_slice %arg5[%dma_start3A_12, %dma_start3A_16] : memref<200x128xi32, #tpu.memory_space<vmem>> -> memref<1x128xi32, #tpu.memory_space<vmem>>
    %dma_start3A_18 = tpu.memref_squeeze %dma_start3A_17 : memref<1x128xi32, #tpu.memory_space<vmem>> -> memref<128xi32, #tpu.memory_space<vmem>>
    %dma_start3A_19 = arith.constant 0 : i32
    %dma_start3A_20 = arith.constant 0 : i32
    %dma_start3A_21 = tpu.memref_slice %arg2[%dma_start3A_19, %dma_start3A_20] : memref<100001x128xf32, #tpu.memory_space<hbm>> -> memref<100001x128xf32, #tpu.memory_space<hbm>>
    tpu.enqueue_indirect_dma source(%dma_start3A_21 : memref<100001x128xf32, #tpu.memory_space<hbm>>) target(%dma_start3A_15 : memref<128x128xf32, #tpu.memory_space<vmem>>) offsets(%dma_start3A_18 : memref<128xi32, #tpu.memory_space<vmem>>) semaphore(%arg9 : memref<!tpu.dma_semaphore, #tpu.memory_space<semaphore_mem>>)
    %dma_wait3A = arith.constant 0 : i32
    %dma_wait3A_22 = arith.constant 0 : i32
    %dma_wait3A_23 = tpu.memref_slice %arg6[%dma_wait3A, %dma_wait3A_22] : memref<256x128xf32, #tpu.memory_space<vmem>> -> memref<128x128xf32, #tpu.memory_space<vmem>>
    %dma_wait3A_24 = arith.constant 0 : i32
    %dma_wait3A_25 = arith.constant 0 : i32
    %dma_wait3A_26 = tpu.memref_slice %arg2[%dma_wait3A_24, %dma_wait3A_25] : memref<100001x128xf32, #tpu.memory_space<hbm>> -> memref<128x128xf32, #tpu.memory_space<hbm>>
    %dma_wait3A_27 = arith.constant 0 : i32
    %dma_wait3A_28 = arith.constant 0 : i32
    %dma_wait3A_29 = tpu.memref_slice %arg6[%dma_wait3A_27, %dma_wait3A_28] : memref<256x128xf32, #tpu.memory_space<vmem>> -> memref<128x128xf32, #tpu.memory_space<vmem>>
    %dma_wait3A_30 = arith.constant 0 : i32
    %dma_wait3A_31 = arith.constant 0 : i32
    %dma_wait3A_32 = tpu.memref_slice %arg2[%dma_wait3A_30, %dma_wait3A_31] : memref<100001x128xf32, #tpu.memory_space<hbm>> -> memref<128x128xf32, #tpu.memory_space<hbm>>
    tpu.wait_dma2 semaphore(%arg8 : memref<!tpu.dma_semaphore, #tpu.memory_space<semaphore_mem>>) src(%dma_wait3A_32 : memref<128x128xf32, #tpu.memory_space<hbm>>) dst(%dma_wait3A_29 : memref<128x128xf32, #tpu.memory_space<vmem>>)
    %dma_wait3A_33 = arith.constant 128 : i32
    %dma_wait3A_34 = arith.constant 0 : i32
    %dma_wait3A_35 = tpu.memref_slice %arg6[%dma_wait3A_33, %dma_wait3A_34] : memref<256x128xf32, #tpu.memory_space<vmem>> -> memref<128x128xf32, #tpu.memory_space<vmem>>
    %dma_wait3A_36 = arith.constant 0 : i32
    %dma_wait3A_37 = arith.constant 0 : i32
    %dma_wait3A_38 = tpu.memref_slice %arg2[%dma_wait3A_36, %dma_wait3A_37] : memref<100001x128xf32, #tpu.memory_space<hbm>> -> memref<128x128xf32, #tpu.memory_space<hbm>>
    %dma_wait3A_39 = arith.constant 128 : i32
    %dma_wait3A_40 = arith.constant 0 : i32
    %dma_wait3A_41 = tpu.memref_slice %arg6[%dma_wait3A_39, %dma_wait3A_40] : memref<256x128xf32, #tpu.memory_space<vmem>> -> memref<128x128xf32, #tpu.memory_space<vmem>>
    %dma_wait3A_42 = arith.constant 0 : i32
    %dma_wait3A_43 = arith.constant 0 : i32
    %dma_wait3A_44 = tpu.memref_slice %arg2[%dma_wait3A_42, %dma_wait3A_43] : memref<100001x128xf32, #tpu.memory_space<hbm>> -> memref<128x128xf32, #tpu.memory_space<hbm>>
    tpu.wait_dma2 semaphore(%arg9 : memref<!tpu.dma_semaphore, #tpu.memory_space<semaphore_mem>>) src(%dma_wait3A_44 : memref<128x128xf32, #tpu.memory_space<hbm>>) dst(%dma_wait3A_41 : memref<128x128xf32, #tpu.memory_space<vmem>>)
    %add3A_45 = arith.constant 0 : i32
    %add3A_46 = arith.addi %mul3A_2, %add3A_45 : i32
    %dma_start3A_47 = arith.constant 0 : i32
    %dma_start3A_48 = tpu.memref_slice %arg4[%add3A_46, %dma_start3A_47] : memref<819200x128xf32, #tpu.memory_space<hbm>> -> memref<256x128xf32, #tpu.memory_space<hbm>>
    %dma_start3A_49 = arith.constant 0 : i32
    %dma_start3A_50 = tpu.memref_slice %arg4[%add3A_46, %dma_start3A_49] : memref<819200x128xf32, #tpu.memory_space<hbm>> -> memref<256x128xf32, #tpu.memory_space<hbm>>
    tpu.enqueue_dma source(%arg6 : memref<256x128xf32, #tpu.memory_space<vmem>>) target(%dma_start3A_50 : memref<256x128xf32, #tpu.memory_space<hbm>>) target_semaphore(%arg12 : memref<!tpu.dma_semaphore, #tpu.memory_space<semaphore_mem>>)
    %dma_start3A_51 = arith.constant 2 : i32
    %dma_start3A_52 = arith.constant 0 : i32
    %dma_start3A_53 = arith.constant 0 : i32
    %dma_start3A_54 = tpu.memref_slice %arg7[%dma_start3A_52, %dma_start3A_53] : memref<256x128xf32, #tpu.memory_space<vmem>> -> memref<128x128xf32, #tpu.memory_space<vmem>>
    %dma_start3A_55 = arith.constant 0 : i32
    %dma_start3A_56 = tpu.memref_slice %arg5[%dma_start3A_51, %dma_start3A_55] : memref<200x128xi32, #tpu.memory_space<vmem>> -> memref<1x128xi32, #tpu.memory_space<vmem>>
    %dma_start3A_57 = tpu.memref_squeeze %dma_start3A_56 : memref<1x128xi32, #tpu.memory_space<vmem>> -> memref<128xi32, #tpu.memory_space<vmem>>
    %dma_start3A_58 = arith.constant 0 : i32
    %dma_start3A_59 = arith.constant 0 : i32
    %dma_start3A_60 = tpu.memref_slice %arg2[%dma_start3A_58, %dma_start3A_59] : memref<100001x128xf32, #tpu.memory_space<hbm>> -> memref<100001x128xf32, #tpu.memory_space<hbm>>
    tpu.enqueue_indirect_dma source(%dma_start3A_60 : memref<100001x128xf32, #tpu.memory_space<hbm>>) target(%dma_start3A_54 : memref<128x128xf32, #tpu.memory_space<vmem>>) offsets(%dma_start3A_57 : memref<128xi32, #tpu.memory_space<vmem>>) semaphore(%arg10 : memref<!tpu.dma_semaphore, #tpu.memory_space<semaphore_mem>>)
    %dma_start3A_61 = arith.constant 3 : i32
    %dma_start3A_62 = arith.constant 128 : i32
    %dma_start3A_63 = arith.constant 0 : i32
    %dma_start3A_64 = tpu.memref_slice %arg7[%dma_start3A_62, %dma_start3A_63] : memref<256x128xf32, #tpu.memory_space<vmem>> -> memref<128x128xf32, #tpu.memory_space<vmem>>
    %dma_start3A_65 = arith.constant 0 : i32
    %dma_start3A_66 = tpu.memref_slice %arg5[%dma_start3A_61, %dma_start3A_65] : memref<200x128xi32, #tpu.memory_space<vmem>> -> memref<1x128xi32, #tpu.memory_space<vmem>>
    %dma_start3A_67 = tpu.memref_squeeze %dma_start3A_66 : memref<1x128xi32, #tpu.memory_space<vmem>> -> memref<128xi32, #tpu.memory_space<vmem>>
    %dma_start3A_68 = arith.constant 0 : i32
    %dma_start3A_69 = arith.constant 0 : i32
    %dma_start3A_70 = tpu.memref_slice %arg2[%dma_start3A_68, %dma_start3A_69] : memref<100001x128xf32, #tpu.memory_space<hbm>> -> memref<100001x128xf32, #tpu.memory_space<hbm>>
    tpu.enqueue_indirect_dma source(%dma_start3A_70 : memref<100001x128xf32, #tpu.memory_space<hbm>>) target(%dma_start3A_64 : memref<128x128xf32, #tpu.memory_space<vmem>>) offsets(%dma_start3A_67 : memref<128xi32, #tpu.memory_space<vmem>>) semaphore(%arg11 : memref<!tpu.dma_semaphore, #tpu.memory_space<semaphore_mem>>)
    %dma_wait3A_71 = arith.constant 0 : i32
    %dma_wait3A_72 = arith.constant 0 : i32
    %dma_wait3A_73 = tpu.memref_slice %arg7[%dma_wait3A_71, %dma_wait3A_72] : memref<256x128xf32, #tpu.memory_space<vmem>> -> memref<128x128xf32, #tpu.memory_space<vmem>>
    %dma_wait3A_74 = arith.constant 0 : i32
    %dma_wait3A_75 = arith.constant 0 : i32
    %dma_wait3A_76 = tpu.memref_slice %arg2[%dma_wait3A_74, %dma_wait3A_75] : memref<100001x128xf32, #tpu.memory_space<hbm>> -> memref<128x128xf32, #tpu.memory_space<hbm>>
    %dma_wait3A_77 = arith.constant 0 : i32
    %dma_wait3A_78 = arith.constant 0 : i32
    %dma_wait3A_79 = tpu.memref_slice %arg7[%dma_wait3A_77, %dma_wait3A_78] : memref<256x128xf32, #tpu.memory_space<vmem>> -> memref<128x128xf32, #tpu.memory_space<vmem>>
    %dma_wait3A_80 = arith.constant 0 : i32
    %dma_wait3A_81 = arith.constant 0 : i32
    %dma_wait3A_82 = tpu.memref_slice %arg2[%dma_wait3A_80, %dma_wait3A_81] : memref<100001x128xf32, #tpu.memory_space<hbm>> -> memref<128x128xf32, #tpu.memory_space<hbm>>
    tpu.wait_dma2 semaphore(%arg10 : memref<!tpu.dma_semaphore, #tpu.memory_space<semaphore_mem>>) src(%dma_wait3A_82 : memref<128x128xf32, #tpu.memory_space<hbm>>) dst(%dma_wait3A_79 : memref<128x128xf32, #tpu.memory_space<vmem>>)
    %dma_wait3A_83 = arith.constant 128 : i32
    %dma_wait3A_84 = arith.constant 0 : i32
    %dma_wait3A_85 = tpu.memref_slice %arg7[%dma_wait3A_83, %dma_wait3A_84] : memref<256x128xf32, #tpu.memory_space<vmem>> -> memref<128x128xf32, #tpu.memory_space<vmem>>
    %dma_wait3A_86 = arith.constant 0 : i32
    %dma_wait3A_87 = arith.constant 0 : i32
    %dma_wait3A_88 = tpu.memref_slice %arg2[%dma_wait3A_86, %dma_wait3A_87] : memref<100001x128xf32, #tpu.memory_space<hbm>> -> memref<128x128xf32, #tpu.memory_space<hbm>>
    %dma_wait3A_89 = arith.constant 128 : i32
    %dma_wait3A_90 = arith.constant 0 : i32
    %dma_wait3A_91 = tpu.memref_slice %arg7[%dma_wait3A_89, %dma_wait3A_90] : memref<256x128xf32, #tpu.memory_space<vmem>> -> memref<128x128xf32, #tpu.memory_space<vmem>>
    %dma_wait3A_92 = arith.constant 0 : i32
    %dma_wait3A_93 = arith.constant 0 : i32
    %dma_wait3A_94 = tpu.memref_slice %arg2[%dma_wait3A_92, %dma_wait3A_93] : memref<100001x128xf32, #tpu.memory_space<hbm>> -> memref<128x128xf32, #tpu.memory_space<hbm>>
    tpu.wait_dma2 semaphore(%arg11 : memref<!tpu.dma_semaphore, #tpu.memory_space<semaphore_mem>>) src(%dma_wait3A_94 : memref<128x128xf32, #tpu.memory_space<hbm>>) dst(%dma_wait3A_91 : memref<128x128xf32, #tpu.memory_space<vmem>>)
    %add3A_95 = arith.constant 256 : i32
    %add3A_96 = arith.addi %mul3A_2, %add3A_95 : i32
    %dma_start3A_97 = arith.constant 0 : i32
    %dma_start3A_98 = tpu.memref_slice %arg4[%add3A_96, %dma_start3A_97] : memref<819200x128xf32, #tpu.memory_space<hbm>> -> memref<256x128xf32, #tpu.memory_space<hbm>>
    %dma_start3A_99 = arith.constant 0 : i32
    %dma_start3A_100 = tpu.memref_slice %arg4[%add3A_96, %dma_start3A_99] : memref<819200x128xf32, #tpu.memory_space<hbm>> -> memref<256x128xf32, #tpu.memory_space<hbm>>
    tpu.enqueue_dma source(%arg7 : memref<256x128xf32, #tpu.memory_space<vmem>>) target(%dma_start3A_100 : memref<256x128xf32, #tpu.memory_space<hbm>>) target_semaphore(%arg13 : memref<!tpu.dma_semaphore, #tpu.memory_space<semaphore_mem>>)
    %dma_wait3A_101 = arith.constant 0 : i32
    %dma_wait3A_102 = tpu.memref_slice %arg4[%mul3A_2, %dma_wait3A_101] : memref<819200x128xf32, #tpu.memory_space<hbm>> -> memref<256x128xf32, #tpu.memory_space<hbm>>
    %dma_wait3A_103 = arith.constant 0 : i32
    %dma_wait3A_104 = tpu.memref_slice %arg4[%mul3A_2, %dma_wait3A_103] : memref<819200x128xf32, #tpu.memory_space<hbm>> -> memref<256x128xf32, #tpu.memory_space<hbm>>
    tpu.wait_dma2 semaphore(%arg12 : memref<!tpu.dma_semaphore, #tpu.memory_space<semaphore_mem>>) src(%arg6 : memref<256x128xf32, #tpu.memory_space<vmem>>) dst(%dma_wait3A_104 : memref<256x128xf32, #tpu.memory_space<hbm>>)
    %dma_start3A_105 = arith.constant 4 : i32
    %dma_start3A_106 = arith.constant 0 : i32
    %dma_start3A_107 = arith.constant 0 : i32
    %dma_start3A_108 = tpu.memref_slice %arg6[%dma_start3A_106, %dma_start3A_107] : memref<256x128xf32, #tpu.memory_space<vmem>> -> memref<128x128xf32, #tpu.memory_space<vmem>>
    %dma_start3A_109 = arith.constant 0 : i32
    %dma_start3A_110 = tpu.memref_slice %arg5[%dma_start3A_105, %dma_start3A_109] : memref<200x128xi32, #tpu.memory_space<vmem>> -> memref<1x128xi32, #tpu.memory_space<vmem>>
    %dma_start3A_111 = tpu.memref_squeeze %dma_start3A_110 : memref<1x128xi32, #tpu.memory_space<vmem>> -> memref<128xi32, #tpu.memory_space<vmem>>
    %dma_start3A_112 = arith.constant 0 : i32
    %dma_start3A_113 = arith.constant 0 : i32
    %dma_start3A_114 = tpu.memref_slice %arg2[%dma_start3A_112, %dma_start3A_113] : memref<100001x128xf32, #tpu.memory_space<hbm>> -> memref<100001x128xf32, #tpu.memory_space<hbm>>
    tpu.enqueue_indirect_dma source(%dma_start3A_114 : memref<100001x128xf32, #tpu.memory_space<hbm>>) target(%dma_start3A_108 : memref<128x128xf32, #tpu.memory_space<vmem>>) offsets(%dma_start3A_111 : memref<128xi32, #tpu.memory_space<vmem>>) semaphore(%arg8 : memref<!tpu.dma_semaphore, #tpu.memory_space<semaphore_mem>>)
    %dma_start3A_115 = arith.constant 5 : i32
    %dma_start3A_116 = arith.constant 128 : i32
    %dma_start3A_117 = arith.constant 0 : i32
    %dma_start3A_118 = tpu.memref_slice %arg6[%dma_start3A_116, %dma_start3A_117] : memref<256x128xf32, #tpu.memory_space<vmem>> -> memref<128x128xf32, #tpu.memory_space<vmem>>
    %dma_start3A_119 = arith.constant 0 : i32
    %dma_start3A_120 = tpu.memref_slice %arg5[%dma_start3A_115, %dma_start3A_119] : memref<200x128xi32, #tpu.memory_space<vmem>> -> memref<1x128xi32, #tpu.memory_space<vmem>>
    %dma_start3A_121 = tpu.memref_squeeze %dma_start3A_120 : memref<1x128xi32, #tpu.memory_space<vmem>> -> memref<128xi32, #tpu.memory_space<vmem>>
    %dma_start3A_122 = arith.constant 0 : i32
    %dma_start3A_123 = arith.constant 0 : i32
    %dma_start3A_124 = tpu.memref_slice %arg2[%dma_start3A_122, %dma_start3A_123] : memref<100001x128xf32, #tpu.memory_space<hbm>> -> memref<100001x128xf32, #tpu.memory_space<hbm>>
    tpu.enqueue_indirect_dma source(%dma_start3A_124 : memref<100001x128xf32, #tpu.memory_space<hbm>>) target(%dma_start3A_118 : memref<128x128xf32, #tpu.memory_space<vmem>>) offsets(%dma_start3A_121 : memref<128xi32, #tpu.memory_space<vmem>>) semaphore(%arg9 : memref<!tpu.dma_semaphore, #tpu.memory_space<semaphore_mem>>)
    %scan3A = arith.constant 0 : i32
    %scan3A_125 = arith.constant 0 : i32
    %scan3A_126 = arith.constant 48 : i32
    %scan3A_127 = arith.addi %scan3A_125, %scan3A_126 : i32
    %scan3A_128 = arith.constant 1 : i32
    scf.for %scan3A_222 = %scan3A_125 to %scan3A_127 step %scan3A_128  : i32 {
      %mul3A_223 = arith.constant 2 : i32
      %mul3A_224 = arith.muli %mul3A_223, %scan3A_222 : i32
      %add3A_225 = arith.constant 2 : i32
      %add3A_226 = arith.addi %add3A_225, %mul3A_224 : i32
      %dma_wait3A_227 = arith.constant 0 : i32
      %dma_wait3A_228 = arith.constant 0 : i32
      %dma_wait3A_229 = tpu.memref_slice %arg6[%dma_wait3A_227, %dma_wait3A_228] : memref<256x128xf32, #tpu.memory_space<vmem>> -> memref<128x128xf32, #tpu.memory_space<vmem>>
      %dma_wait3A_230 = arith.constant 0 : i32
      %dma_wait3A_231 = arith.constant 0 : i32
      %dma_wait3A_232 = tpu.memref_slice %arg2[%dma_wait3A_230, %dma_wait3A_231] : memref<100001x128xf32, #tpu.memory_space<hbm>> -> memref<128x128xf32, #tpu.memory_space<hbm>>
      %dma_wait3A_233 = arith.constant 0 : i32
      %dma_wait3A_234 = arith.constant 0 : i32
      %dma_wait3A_235 = tpu.memref_slice %arg6[%dma_wait3A_233, %dma_wait3A_234] : memref<256x128xf32, #tpu.memory_space<vmem>> -> memref<128x128xf32, #tpu.memory_space<vmem>>
      %dma_wait3A_236 = arith.constant 0 : i32
      %dma_wait3A_237 = arith.constant 0 : i32
      %dma_wait3A_238 = tpu.memref_slice %arg2[%dma_wait3A_236, %dma_wait3A_237] : memref<100001x128xf32, #tpu.memory_space<hbm>> -> memref<128x128xf32, #tpu.memory_space<hbm>>
      tpu.wait_dma2 semaphore(%arg8 : memref<!tpu.dma_semaphore, #tpu.memory_space<semaphore_mem>>) src(%dma_wait3A_238 : memref<128x128xf32, #tpu.memory_space<hbm>>) dst(%dma_wait3A_235 : memref<128x128xf32, #tpu.memory_space<vmem>>)
      %dma_wait3A_239 = arith.constant 128 : i32
      %dma_wait3A_240 = arith.constant 0 : i32
      %dma_wait3A_241 = tpu.memref_slice %arg6[%dma_wait3A_239, %dma_wait3A_240] : memref<256x128xf32, #tpu.memory_space<vmem>> -> memref<128x128xf32, #tpu.memory_space<vmem>>
      %dma_wait3A_242 = arith.constant 0 : i32
      %dma_wait3A_243 = arith.constant 0 : i32
      %dma_wait3A_244 = tpu.memref_slice %arg2[%dma_wait3A_242, %dma_wait3A_243] : memref<100001x128xf32, #tpu.memory_space<hbm>> -> memref<128x128xf32, #tpu.memory_space<hbm>>
      %dma_wait3A_245 = arith.constant 128 : i32
      %dma_wait3A_246 = arith.constant 0 : i32
      %dma_wait3A_247 = tpu.memref_slice %arg6[%dma_wait3A_245, %dma_wait3A_246] : memref<256x128xf32, #tpu.memory_space<vmem>> -> memref<128x128xf32, #tpu.memory_space<vmem>>
      %dma_wait3A_248 = arith.constant 0 : i32
      %dma_wait3A_249 = arith.constant 0 : i32
      %dma_wait3A_250 = tpu.memref_slice %arg2[%dma_wait3A_248, %dma_wait3A_249] : memref<100001x128xf32, #tpu.memory_space<hbm>> -> memref<128x128xf32, #tpu.memory_space<hbm>>
      tpu.wait_dma2 semaphore(%arg9 : memref<!tpu.dma_semaphore, #tpu.memory_space<semaphore_mem>>) src(%dma_wait3A_250 : memref<128x128xf32, #tpu.memory_space<hbm>>) dst(%dma_wait3A_247 : memref<128x128xf32, #tpu.memory_space<vmem>>)
      %mul3A_251 = arith.constant 2 : i32
      %mul3A_252 = arith.muli %add3A_226, %mul3A_251 : i32
      %mul3A_253 = arith.constant 128 : i32
      %mul3A_254 = arith.muli %mul3A_252, %mul3A_253 : i32
      %add3A_255 = arith.addi %mul3A_2, %mul3A_254 : i32
      %dma_start3A_256 = arith.constant 0 : i32
      %dma_start3A_257 = tpu.memref_slice %arg4[%add3A_255, %dma_start3A_256] : memref<819200x128xf32, #tpu.memory_space<hbm>> -> memref<256x128xf32, #tpu.memory_space<hbm>>
      %dma_start3A_258 = arith.constant 0 : i32
      %dma_start3A_259 = tpu.memref_slice %arg4[%add3A_255, %dma_start3A_258] : memref<819200x128xf32, #tpu.memory_space<hbm>> -> memref<256x128xf32, #tpu.memory_space<hbm>>
      tpu.enqueue_dma source(%arg6 : memref<256x128xf32, #tpu.memory_space<vmem>>) target(%dma_start3A_259 : memref<256x128xf32, #tpu.memory_space<hbm>>) target_semaphore(%arg12 : memref<!tpu.dma_semaphore, #tpu.memory_space<semaphore_mem>>)
      %dma_wait3A_260 = arith.constant 0 : i32
      %dma_wait3A_261 = tpu.memref_slice %arg4[%mul3A_2, %dma_wait3A_260] : memref<819200x128xf32, #tpu.memory_space<hbm>> -> memref<256x128xf32, #tpu.memory_space<hbm>>
      %dma_wait3A_262 = arith.constant 0 : i32
      %dma_wait3A_263 = tpu.memref_slice %arg4[%mul3A_2, %dma_wait3A_262] : memref<819200x128xf32, #tpu.memory_space<hbm>> -> memref<256x128xf32, #tpu.memory_space<hbm>>
      tpu.wait_dma2 semaphore(%arg13 : memref<!tpu.dma_semaphore, #tpu.memory_space<semaphore_mem>>) src(%arg7 : memref<256x128xf32, #tpu.memory_space<vmem>>) dst(%dma_wait3A_263 : memref<256x128xf32, #tpu.memory_space<hbm>>)
      %add3A_264 = arith.constant 1 : i32
      %add3A_265 = arith.addi %add3A_226, %add3A_264 : i32
      %mul3A_266 = arith.constant 2 : i32
      %mul3A_267 = arith.muli %add3A_265, %mul3A_266 : i32
      %add3A_268 = arith.constant 0 : i32
      %add3A_269 = arith.addi %mul3A_267, %add3A_268 : i32
      %dma_start3A_270 = arith.constant 0 : i32
      %dma_start3A_271 = arith.constant 0 : i32
      %dma_start3A_272 = tpu.memref_slice %arg7[%dma_start3A_270, %dma_start3A_271] : memref<256x128xf32, #tpu.memory_space<vmem>> -> memref<128x128xf32, #tpu.memory_space<vmem>>
      %dma_start3A_273 = arith.constant 0 : i32
      %dma_start3A_274 = tpu.memref_slice %arg5[%add3A_269, %dma_start3A_273] : memref<200x128xi32, #tpu.memory_space<vmem>> -> memref<1x128xi32, #tpu.memory_space<vmem>>
      %dma_start3A_275 = tpu.memref_squeeze %dma_start3A_274 : memref<1x128xi32, #tpu.memory_space<vmem>> -> memref<128xi32, #tpu.memory_space<vmem>>
      %dma_start3A_276 = arith.constant 0 : i32
      %dma_start3A_277 = arith.constant 0 : i32
      %dma_start3A_278 = tpu.memref_slice %arg2[%dma_start3A_276, %dma_start3A_277] : memref<100001x128xf32, #tpu.memory_space<hbm>> -> memref<100001x128xf32, #tpu.memory_space<hbm>>
      tpu.enqueue_indirect_dma source(%dma_start3A_278 : memref<100001x128xf32, #tpu.memory_space<hbm>>) target(%dma_start3A_272 : memref<128x128xf32, #tpu.memory_space<vmem>>) offsets(%dma_start3A_275 : memref<128xi32, #tpu.memory_space<vmem>>) semaphore(%arg10 : memref<!tpu.dma_semaphore, #tpu.memory_space<semaphore_mem>>)
      %add3A_279 = arith.constant 1 : i32
      %add3A_280 = arith.addi %add3A_226, %add3A_279 : i32
      %mul3A_281 = arith.constant 2 : i32
      %mul3A_282 = arith.muli %add3A_280, %mul3A_281 : i32
      %add3A_283 = arith.constant 1 : i32
      %add3A_284 = arith.addi %mul3A_282, %add3A_283 : i32
      %dma_start3A_285 = arith.constant 128 : i32
      %dma_start3A_286 = arith.constant 0 : i32
      %dma_start3A_287 = tpu.memref_slice %arg7[%dma_start3A_285, %dma_start3A_286] : memref<256x128xf32, #tpu.memory_space<vmem>> -> memref<128x128xf32, #tpu.memory_space<vmem>>
      %dma_start3A_288 = arith.constant 0 : i32
      %dma_start3A_289 = tpu.memref_slice %arg5[%add3A_284, %dma_start3A_288] : memref<200x128xi32, #tpu.memory_space<vmem>> -> memref<1x128xi32, #tpu.memory_space<vmem>>
      %dma_start3A_290 = tpu.memref_squeeze %dma_start3A_289 : memref<1x128xi32, #tpu.memory_space<vmem>> -> memref<128xi32, #tpu.memory_space<vmem>>
      %dma_start3A_291 = arith.constant 0 : i32
      %dma_start3A_292 = arith.constant 0 : i32
      %dma_start3A_293 = tpu.memref_slice %arg2[%dma_start3A_291, %dma_start3A_292] : memref<100001x128xf32, #tpu.memory_space<hbm>> -> memref<100001x128xf32, #tpu.memory_space<hbm>>
      tpu.enqueue_indirect_dma source(%dma_start3A_293 : memref<100001x128xf32, #tpu.memory_space<hbm>>) target(%dma_start3A_287 : memref<128x128xf32, #tpu.memory_space<vmem>>) offsets(%dma_start3A_290 : memref<128xi32, #tpu.memory_space<vmem>>) semaphore(%arg11 : memref<!tpu.dma_semaphore, #tpu.memory_space<semaphore_mem>>)
      %add3A_294 = arith.constant 1 : i32
      %add3A_295 = arith.addi %add3A_226, %add3A_294 : i32
      %dma_wait3A_296 = arith.constant 0 : i32
      %dma_wait3A_297 = arith.constant 0 : i32
      %dma_wait3A_298 = tpu.memref_slice %arg7[%dma_wait3A_296, %dma_wait3A_297] : memref<256x128xf32, #tpu.memory_space<vmem>> -> memref<128x128xf32, #tpu.memory_space<vmem>>
      %dma_wait3A_299 = arith.constant 0 : i32
      %dma_wait3A_300 = arith.constant 0 : i32
      %dma_wait3A_301 = tpu.memref_slice %arg2[%dma_wait3A_299, %dma_wait3A_300] : memref<100001x128xf32, #tpu.memory_space<hbm>> -> memref<128x128xf32, #tpu.memory_space<hbm>>
      %dma_wait3A_302 = arith.constant 0 : i32
      %dma_wait3A_303 = arith.constant 0 : i32
      %dma_wait3A_304 = tpu.memref_slice %arg7[%dma_wait3A_302, %dma_wait3A_303] : memref<256x128xf32, #tpu.memory_space<vmem>> -> memref<128x128xf32, #tpu.memory_space<vmem>>
      %dma_wait3A_305 = arith.constant 0 : i32
      %dma_wait3A_306 = arith.constant 0 : i32
      %dma_wait3A_307 = tpu.memref_slice %arg2[%dma_wait3A_305, %dma_wait3A_306] : memref<100001x128xf32, #tpu.memory_space<hbm>> -> memref<128x128xf32, #tpu.memory_space<hbm>>
      tpu.wait_dma2 semaphore(%arg10 : memref<!tpu.dma_semaphore, #tpu.memory_space<semaphore_mem>>) src(%dma_wait3A_307 : memref<128x128xf32, #tpu.memory_space<hbm>>) dst(%dma_wait3A_304 : memref<128x128xf32, #tpu.memory_space<vmem>>)
      %dma_wait3A_308 = arith.constant 128 : i32
      %dma_wait3A_309 = arith.constant 0 : i32
      %dma_wait3A_310 = tpu.memref_slice %arg7[%dma_wait3A_308, %dma_wait3A_309] : memref<256x128xf32, #tpu.memory_space<vmem>> -> memref<128x128xf32, #tpu.memory_space<vmem>>
      %dma_wait3A_311 = arith.constant 0 : i32
      %dma_wait3A_312 = arith.constant 0 : i32
      %dma_wait3A_313 = tpu.memref_slice %arg2[%dma_wait3A_311, %dma_wait3A_312] : memref<100001x128xf32, #tpu.memory_space<hbm>> -> memref<128x128xf32, #tpu.memory_space<hbm>>
      %dma_wait3A_314 = arith.constant 128 : i32
      %dma_wait3A_315 = arith.constant 0 : i32
      %dma_wait3A_316 = tpu.memref_slice %arg7[%dma_wait3A_314, %dma_wait3A_315] : memref<256x128xf32, #tpu.memory_space<vmem>> -> memref<128x128xf32, #tpu.memory_space<vmem>>
      %dma_wait3A_317 = arith.constant 0 : i32
      %dma_wait3A_318 = arith.constant 0 : i32
      %dma_wait3A_319 = tpu.memref_slice %arg2[%dma_wait3A_317, %dma_wait3A_318] : memref<100001x128xf32, #tpu.memory_space<hbm>> -> memref<128x128xf32, #tpu.memory_space<hbm>>
      tpu.wait_dma2 semaphore(%arg11 : memref<!tpu.dma_semaphore, #tpu.memory_space<semaphore_mem>>) src(%dma_wait3A_319 : memref<128x128xf32, #tpu.memory_space<hbm>>) dst(%dma_wait3A_316 : memref<128x128xf32, #tpu.memory_space<vmem>>)
      %mul3A_320 = arith.constant 2 : i32
      %mul3A_321 = arith.muli %add3A_295, %mul3A_320 : i32
      %mul3A_322 = arith.constant 128 : i32
      %mul3A_323 = arith.muli %mul3A_321, %mul3A_322 : i32
      %add3A_324 = arith.addi %mul3A_2, %mul3A_323 : i32
      %dma_start3A_325 = arith.constant 0 : i32
      %dma_start3A_326 = tpu.memref_slice %arg4[%add3A_324, %dma_start3A_325] : memref<819200x128xf32, #tpu.memory_space<hbm>> -> memref<256x128xf32, #tpu.memory_space<hbm>>
      %dma_start3A_327 = arith.constant 0 : i32
      %dma_start3A_328 = tpu.memref_slice %arg4[%add3A_324, %dma_start3A_327] : memref<819200x128xf32, #tpu.memory_space<hbm>> -> memref<256x128xf32, #tpu.memory_space<hbm>>
      tpu.enqueue_dma source(%arg7 : memref<256x128xf32, #tpu.memory_space<vmem>>) target(%dma_start3A_328 : memref<256x128xf32, #tpu.memory_space<hbm>>) target_semaphore(%arg13 : memref<!tpu.dma_semaphore, #tpu.memory_space<semaphore_mem>>)
      %dma_wait3A_329 = arith.constant 0 : i32
      %dma_wait3A_330 = tpu.memref_slice %arg4[%mul3A_2, %dma_wait3A_329] : memref<819200x128xf32, #tpu.memory_space<hbm>> -> memref<256x128xf32, #tpu.memory_space<hbm>>
      %dma_wait3A_331 = arith.constant 0 : i32
      %dma_wait3A_332 = tpu.memref_slice %arg4[%mul3A_2, %dma_wait3A_331] : memref<819200x128xf32, #tpu.memory_space<hbm>> -> memref<256x128xf32, #tpu.memory_space<hbm>>
      tpu.wait_dma2 semaphore(%arg12 : memref<!tpu.dma_semaphore, #tpu.memory_space<semaphore_mem>>) src(%arg6 : memref<256x128xf32, #tpu.memory_space<vmem>>) dst(%dma_wait3A_332 : memref<256x128xf32, #tpu.memory_space<hbm>>)
      %add3A_333 = arith.constant 1 : i32
      %add3A_334 = arith.addi %add3A_295, %add3A_333 : i32
      %mul3A_335 = arith.constant 2 : i32
      %mul3A_336 = arith.muli %add3A_334, %mul3A_335 : i32
      %add3A_337 = arith.constant 0 : i32
      %add3A_338 = arith.addi %mul3A_336, %add3A_337 : i32
      %dma_start3A_339 = arith.constant 0 : i32
      %dma_start3A_340 = arith.constant 0 : i32
      %dma_start3A_341 = tpu.memref_slice %arg6[%dma_start3A_339, %dma_start3A_340] : memref<256x128xf32, #tpu.memory_space<vmem>> -> memref<128x128xf32, #tpu.memory_space<vmem>>
      %dma_start3A_342 = arith.constant 0 : i32
      %dma_start3A_343 = tpu.memref_slice %arg5[%add3A_338, %dma_start3A_342] : memref<200x128xi32, #tpu.memory_space<vmem>> -> memref<1x128xi32, #tpu.memory_space<vmem>>
      %dma_start3A_344 = tpu.memref_squeeze %dma_start3A_343 : memref<1x128xi32, #tpu.memory_space<vmem>> -> memref<128xi32, #tpu.memory_space<vmem>>
      %dma_start3A_345 = arith.constant 0 : i32
      %dma_start3A_346 = arith.constant 0 : i32
      %dma_start3A_347 = tpu.memref_slice %arg2[%dma_start3A_345, %dma_start3A_346] : memref<100001x128xf32, #tpu.memory_space<hbm>> -> memref<100001x128xf32, #tpu.memory_space<hbm>>
      tpu.enqueue_indirect_dma source(%dma_start3A_347 : memref<100001x128xf32, #tpu.memory_space<hbm>>) target(%dma_start3A_341 : memref<128x128xf32, #tpu.memory_space<vmem>>) offsets(%dma_start3A_344 : memref<128xi32, #tpu.memory_space<vmem>>) semaphore(%arg8 : memref<!tpu.dma_semaphore, #tpu.memory_space<semaphore_mem>>)
      %add3A_348 = arith.constant 1 : i32
      %add3A_349 = arith.addi %add3A_295, %add3A_348 : i32
      %mul3A_350 = arith.constant 2 : i32
      %mul3A_351 = arith.muli %add3A_349, %mul3A_350 : i32
      %add3A_352 = arith.constant 1 : i32
      %add3A_353 = arith.addi %mul3A_351, %add3A_352 : i32
      %dma_start3A_354 = arith.constant 128 : i32
      %dma_start3A_355 = arith.constant 0 : i32
      %dma_start3A_356 = tpu.memref_slice %arg6[%dma_start3A_354, %dma_start3A_355] : memref<256x128xf32, #tpu.memory_space<vmem>> -> memref<128x128xf32, #tpu.memory_space<vmem>>
      %dma_start3A_357 = arith.constant 0 : i32
      %dma_start3A_358 = tpu.memref_slice %arg5[%add3A_353, %dma_start3A_357] : memref<200x128xi32, #tpu.memory_space<vmem>> -> memref<1x128xi32, #tpu.memory_space<vmem>>
      %dma_start3A_359 = tpu.memref_squeeze %dma_start3A_358 : memref<1x128xi32, #tpu.memory_space<vmem>> -> memref<128xi32, #tpu.memory_space<vmem>>
      %dma_start3A_360 = arith.constant 0 : i32
      %dma_start3A_361 = arith.constant 0 : i32
      %dma_start3A_362 = tpu.memref_slice %arg2[%dma_start3A_360, %dma_start3A_361] : memref<100001x128xf32, #tpu.memory_space<hbm>> -> memref<100001x128xf32, #tpu.memory_space<hbm>>
      tpu.enqueue_indirect_dma source(%dma_start3A_362 : memref<100001x128xf32, #tpu.memory_space<hbm>>) target(%dma_start3A_356 : memref<128x128xf32, #tpu.memory_space<vmem>>) offsets(%dma_start3A_359 : memref<128xi32, #tpu.memory_space<vmem>>) semaphore(%arg9 : memref<!tpu.dma_semaphore, #tpu.memory_space<semaphore_mem>>)
    }
    %scan3A_129 = arith.constant 48 : i32
    %dma_wait3A_130 = arith.constant 0 : i32
    %dma_wait3A_131 = arith.constant 0 : i32
    %dma_wait3A_132 = tpu.memref_slice %arg6[%dma_wait3A_130, %dma_wait3A_131] : memref<256x128xf32, #tpu.memory_space<vmem>> -> memref<128x128xf32, #tpu.memory_space<vmem>>
    %dma_wait3A_133 = arith.constant 0 : i32
    %dma_wait3A_134 = arith.constant 0 : i32
    %dma_wait3A_135 = tpu.memref_slice %arg2[%dma_wait3A_133, %dma_wait3A_134] : memref<100001x128xf32, #tpu.memory_space<hbm>> -> memref<128x128xf32, #tpu.memory_space<hbm>>
    %dma_wait3A_136 = arith.constant 0 : i32
    %dma_wait3A_137 = arith.constant 0 : i32
    %dma_wait3A_138 = tpu.memref_slice %arg6[%dma_wait3A_136, %dma_wait3A_137] : memref<256x128xf32, #tpu.memory_space<vmem>> -> memref<128x128xf32, #tpu.memory_space<vmem>>
    %dma_wait3A_139 = arith.constant 0 : i32
    %dma_wait3A_140 = arith.constant 0 : i32
    %dma_wait3A_141 = tpu.memref_slice %arg2[%dma_wait3A_139, %dma_wait3A_140] : memref<100001x128xf32, #tpu.memory_space<hbm>> -> memref<128x128xf32, #tpu.memory_space<hbm>>
    tpu.wait_dma2 semaphore(%arg8 : memref<!tpu.dma_semaphore, #tpu.memory_space<semaphore_mem>>) src(%dma_wait3A_141 : memref<128x128xf32, #tpu.memory_space<hbm>>) dst(%dma_wait3A_138 : memref<128x128xf32, #tpu.memory_space<vmem>>)
    %dma_wait3A_142 = arith.constant 128 : i32
    %dma_wait3A_143 = arith.constant 0 : i32
    %dma_wait3A_144 = tpu.memref_slice %arg6[%dma_wait3A_142, %dma_wait3A_143] : memref<256x128xf32, #tpu.memory_space<vmem>> -> memref<128x128xf32, #tpu.memory_space<vmem>>
    %dma_wait3A_145 = arith.constant 0 : i32
    %dma_wait3A_146 = arith.constant 0 : i32
    %dma_wait3A_147 = tpu.memref_slice %arg2[%dma_wait3A_145, %dma_wait3A_146] : memref<100001x128xf32, #tpu.memory_space<hbm>> -> memref<128x128xf32, #tpu.memory_space<hbm>>
    %dma_wait3A_148 = arith.constant 128 : i32
    %dma_wait3A_149 = arith.constant 0 : i32
    %dma_wait3A_150 = tpu.memref_slice %arg6[%dma_wait3A_148, %dma_wait3A_149] : memref<256x128xf32, #tpu.memory_space<vmem>> -> memref<128x128xf32, #tpu.memory_space<vmem>>
    %dma_wait3A_151 = arith.constant 0 : i32
    %dma_wait3A_152 = arith.constant 0 : i32
    %dma_wait3A_153 = tpu.memref_slice %arg2[%dma_wait3A_151, %dma_wait3A_152] : memref<100001x128xf32, #tpu.memory_space<hbm>> -> memref<128x128xf32, #tpu.memory_space<hbm>>
    tpu.wait_dma2 semaphore(%arg9 : memref<!tpu.dma_semaphore, #tpu.memory_space<semaphore_mem>>) src(%dma_wait3A_153 : memref<128x128xf32, #tpu.memory_space<hbm>>) dst(%dma_wait3A_150 : memref<128x128xf32, #tpu.memory_space<vmem>>)
    %add3A_154 = arith.constant 25088 : i32
    %add3A_155 = arith.addi %mul3A_2, %add3A_154 : i32
    %dma_start3A_156 = arith.constant 0 : i32
    %dma_start3A_157 = tpu.memref_slice %arg4[%add3A_155, %dma_start3A_156] : memref<819200x128xf32, #tpu.memory_space<hbm>> -> memref<256x128xf32, #tpu.memory_space<hbm>>
    %dma_start3A_158 = arith.constant 0 : i32
    %dma_start3A_159 = tpu.memref_slice %arg4[%add3A_155, %dma_start3A_158] : memref<819200x128xf32, #tpu.memory_space<hbm>> -> memref<256x128xf32, #tpu.memory_space<hbm>>
    tpu.enqueue_dma source(%arg6 : memref<256x128xf32, #tpu.memory_space<vmem>>) target(%dma_start3A_159 : memref<256x128xf32, #tpu.memory_space<hbm>>) target_semaphore(%arg12 : memref<!tpu.dma_semaphore, #tpu.memory_space<semaphore_mem>>)
    %dma_wait3A_160 = arith.constant 0 : i32
    %dma_wait3A_161 = tpu.memref_slice %arg4[%mul3A_2, %dma_wait3A_160] : memref<819200x128xf32, #tpu.memory_space<hbm>> -> memref<256x128xf32, #tpu.memory_space<hbm>>
    %dma_wait3A_162 = arith.constant 0 : i32
    %dma_wait3A_163 = tpu.memref_slice %arg4[%mul3A_2, %dma_wait3A_162] : memref<819200x128xf32, #tpu.memory_space<hbm>> -> memref<256x128xf32, #tpu.memory_space<hbm>>
    tpu.wait_dma2 semaphore(%arg13 : memref<!tpu.dma_semaphore, #tpu.memory_space<semaphore_mem>>) src(%arg7 : memref<256x128xf32, #tpu.memory_space<vmem>>) dst(%dma_wait3A_163 : memref<256x128xf32, #tpu.memory_space<hbm>>)
    %dma_start3A_164 = arith.constant 198 : i32
    %dma_start3A_165 = arith.constant 0 : i32
    %dma_start3A_166 = arith.constant 0 : i32
    %dma_start3A_167 = tpu.memref_slice %arg7[%dma_start3A_165, %dma_start3A_166] : memref<256x128xf32, #tpu.memory_space<vmem>> -> memref<128x128xf32, #tpu.memory_space<vmem>>
    %dma_start3A_168 = arith.constant 0 : i32
    %dma_start3A_169 = tpu.memref_slice %arg5[%dma_start3A_164, %dma_start3A_168] : memref<200x128xi32, #tpu.memory_space<vmem>> -> memref<1x128xi32, #tpu.memory_space<vmem>>
    %dma_start3A_170 = tpu.memref_squeeze %dma_start3A_169 : memref<1x128xi32, #tpu.memory_space<vmem>> -> memref<128xi32, #tpu.memory_space<vmem>>
    %dma_start3A_171 = arith.constant 0 : i32
    %dma_start3A_172 = arith.constant 0 : i32
    %dma_start3A_173 = tpu.memref_slice %arg2[%dma_start3A_171, %dma_start3A_172] : memref<100001x128xf32, #tpu.memory_space<hbm>> -> memref<100001x128xf32, #tpu.memory_space<hbm>>
    tpu.enqueue_indirect_dma source(%dma_start3A_173 : memref<100001x128xf32, #tpu.memory_space<hbm>>) target(%dma_start3A_167 : memref<128x128xf32, #tpu.memory_space<vmem>>) offsets(%dma_start3A_170 : memref<128xi32, #tpu.memory_space<vmem>>) semaphore(%arg10 : memref<!tpu.dma_semaphore, #tpu.memory_space<semaphore_mem>>)
    %dma_start3A_174 = arith.constant 199 : i32
    %dma_start3A_175 = arith.constant 128 : i32
    %dma_start3A_176 = arith.constant 0 : i32
    %dma_start3A_177 = tpu.memref_slice %arg7[%dma_start3A_175, %dma_start3A_176] : memref<256x128xf32, #tpu.memory_space<vmem>> -> memref<128x128xf32, #tpu.memory_space<vmem>>
    %dma_start3A_178 = arith.constant 0 : i32
    %dma_start3A_179 = tpu.memref_slice %arg5[%dma_start3A_174, %dma_start3A_178] : memref<200x128xi32, #tpu.memory_space<vmem>> -> memref<1x128xi32, #tpu.memory_space<vmem>>
    %dma_start3A_180 = tpu.memref_squeeze %dma_start3A_179 : memref<1x128xi32, #tpu.memory_space<vmem>> -> memref<128xi32, #tpu.memory_space<vmem>>
    %dma_start3A_181 = arith.constant 0 : i32
    %dma_start3A_182 = arith.constant 0 : i32
    %dma_start3A_183 = tpu.memref_slice %arg2[%dma_start3A_181, %dma_start3A_182] : memref<100001x128xf32, #tpu.memory_space<hbm>> -> memref<100001x128xf32, #tpu.memory_space<hbm>>
    tpu.enqueue_indirect_dma source(%dma_start3A_183 : memref<100001x128xf32, #tpu.memory_space<hbm>>) target(%dma_start3A_177 : memref<128x128xf32, #tpu.memory_space<vmem>>) offsets(%dma_start3A_180 : memref<128xi32, #tpu.memory_space<vmem>>) semaphore(%arg11 : memref<!tpu.dma_semaphore, #tpu.memory_space<semaphore_mem>>)
    %dma_wait3A_184 = arith.constant 0 : i32
    %dma_wait3A_185 = arith.constant 0 : i32
    %dma_wait3A_186 = tpu.memref_slice %arg7[%dma_wait3A_184, %dma_wait3A_185] : memref<256x128xf32, #tpu.memory_space<vmem>> -> memref<128x128xf32, #tpu.memory_space<vmem>>
    %dma_wait3A_187 = arith.constant 0 : i32
    %dma_wait3A_188 = arith.constant 0 : i32
    %dma_wait3A_189 = tpu.memref_slice %arg2[%dma_wait3A_187, %dma_wait3A_188] : memref<100001x128xf32, #tpu.memory_space<hbm>> -> memref<128x128xf32, #tpu.memory_space<hbm>>
    %dma_wait3A_190 = arith.constant 0 : i32
    %dma_wait3A_191 = arith.constant 0 : i32
    %dma_wait3A_192 = tpu.memref_slice %arg7[%dma_wait3A_190, %dma_wait3A_191] : memref<256x128xf32, #tpu.memory_space<vmem>> -> memref<128x128xf32, #tpu.memory_space<vmem>>
    %dma_wait3A_193 = arith.constant 0 : i32
    %dma_wait3A_194 = arith.constant 0 : i32
    %dma_wait3A_195 = tpu.memref_slice %arg2[%dma_wait3A_193, %dma_wait3A_194] : memref<100001x128xf32, #tpu.memory_space<hbm>> -> memref<128x128xf32, #tpu.memory_space<hbm>>
    tpu.wait_dma2 semaphore(%arg10 : memref<!tpu.dma_semaphore, #tpu.memory_space<semaphore_mem>>) src(%dma_wait3A_195 : memref<128x128xf32, #tpu.memory_space<hbm>>) dst(%dma_wait3A_192 : memref<128x128xf32, #tpu.memory_space<vmem>>)
    %dma_wait3A_196 = arith.constant 128 : i32
    %dma_wait3A_197 = arith.constant 0 : i32
    %dma_wait3A_198 = tpu.memref_slice %arg7[%dma_wait3A_196, %dma_wait3A_197] : memref<256x128xf32, #tpu.memory_space<vmem>> -> memref<128x128xf32, #tpu.memory_space<vmem>>
    %dma_wait3A_199 = arith.constant 0 : i32
    %dma_wait3A_200 = arith.constant 0 : i32
    %dma_wait3A_201 = tpu.memref_slice %arg2[%dma_wait3A_199, %dma_wait3A_200] : memref<100001x128xf32, #tpu.memory_space<hbm>> -> memref<128x128xf32, #tpu.memory_space<hbm>>
    %dma_wait3A_202 = arith.constant 128 : i32
    %dma_wait3A_203 = arith.constant 0 : i32
    %dma_wait3A_204 = tpu.memref_slice %arg7[%dma_wait3A_202, %dma_wait3A_203] : memref<256x128xf32, #tpu.memory_space<vmem>> -> memref<128x128xf32, #tpu.memory_space<vmem>>
    %dma_wait3A_205 = arith.constant 0 : i32
    %dma_wait3A_206 = arith.constant 0 : i32
    %dma_wait3A_207 = tpu.memref_slice %arg2[%dma_wait3A_205, %dma_wait3A_206] : memref<100001x128xf32, #tpu.memory_space<hbm>> -> memref<128x128xf32, #tpu.memory_space<hbm>>
    tpu.wait_dma2 semaphore(%arg11 : memref<!tpu.dma_semaphore, #tpu.memory_space<semaphore_mem>>) src(%dma_wait3A_207 : memref<128x128xf32, #tpu.memory_space<hbm>>) dst(%dma_wait3A_204 : memref<128x128xf32, #tpu.memory_space<vmem>>)
    %add3A_208 = arith.constant 25344 : i32
    %add3A_209 = arith.addi %mul3A_2, %add3A_208 : i32
    %dma_start3A_210 = arith.constant 0 : i32
    %dma_start3A_211 = tpu.memref_slice %arg4[%add3A_209, %dma_start3A_210] : memref<819200x128xf32, #tpu.memory_space<hbm>> -> memref<256x128xf32, #tpu.memory_space<hbm>>
    %dma_start3A_212 = arith.constant 0 : i32
    %dma_start3A_213 = tpu.memref_slice %arg4[%add3A_209, %dma_start3A_212] : memref<819200x128xf32, #tpu.memory_space<hbm>> -> memref<256x128xf32, #tpu.memory_space<hbm>>
    tpu.enqueue_dma source(%arg7 : memref<256x128xf32, #tpu.memory_space<vmem>>) target(%dma_start3A_213 : memref<256x128xf32, #tpu.memory_space<hbm>>) target_semaphore(%arg13 : memref<!tpu.dma_semaphore, #tpu.memory_space<semaphore_mem>>)
    %dma_wait3A_214 = arith.constant 0 : i32
    %dma_wait3A_215 = tpu.memref_slice %arg4[%mul3A_2, %dma_wait3A_214] : memref<819200x128xf32, #tpu.memory_space<hbm>> -> memref<256x128xf32, #tpu.memory_space<hbm>>
    %dma_wait3A_216 = arith.constant 0 : i32
    %dma_wait3A_217 = tpu.memref_slice %arg4[%mul3A_2, %dma_wait3A_216] : memref<819200x128xf32, #tpu.memory_space<hbm>> -> memref<256x128xf32, #tpu.memory_space<hbm>>
    tpu.wait_dma2 semaphore(%arg12 : memref<!tpu.dma_semaphore, #tpu.memory_space<semaphore_mem>>) src(%arg6 : memref<256x128xf32, #tpu.memory_space<vmem>>) dst(%dma_wait3A_217 : memref<256x128xf32, #tpu.memory_space<hbm>>)
    %dma_wait3A_218 = arith.constant 0 : i32
    %dma_wait3A_219 = tpu.memref_slice %arg4[%mul3A_2, %dma_wait3A_218] : memref<819200x128xf32, #tpu.memory_space<hbm>> -> memref<256x128xf32, #tpu.memory_space<hbm>>
    %dma_wait3A_220 = arith.constant 0 : i32
    %dma_wait3A_221 = tpu.memref_slice %arg4[%mul3A_2, %dma_wait3A_220] : memref<819200x128xf32, #tpu.memory_space<hbm>> -> memref<256x128xf32, #tpu.memory_space<hbm>>
    tpu.wait_dma2 semaphore(%arg13 : memref<!tpu.dma_semaphore, #tpu.memory_space<semaphore_mem>>) src(%arg7 : memref<256x128xf32, #tpu.memory_space<vmem>>) dst(%dma_wait3A_221 : memref<256x128xf32, #tpu.memory_space<hbm>>)
    return
  }
}

</mosaic_0001>

<sc_bundles>
// kernel: kernel.3.cloned.1.call-start
scs
__scs_entry_jumppad:
0x0: {  	(pc) =	sbr.rel $0x88, $3  }
0x1: {  	(tag) =	ssettag $0x0;
	lr =	simm.s32 $0x1  }
0x2: {  	[smem:$0x3F9F] =	sst lr;
	_ =	strace $0xD0000000  }
0x3: {  	_ = 	snop  }
0x4: {  	_ = 	snop  }
0x5: {  	_ = 	snop  }
0x6: {  	_ = 	snop  }
0x7: {  	_ = 	snop  }
__scs_overlays_trampoline_lowered:
0x8: {  	[smem:$0x3FAE] =	sst s0  }
0x9: {  	[smem:$0x3FAF] =	sst s1  }
0xa: {  	[smem:$0x3FB0] =	sst s2  }
0xb: {  	[smem:$0x3FB1] =	sst s3  }
0xc: {  	[smem:$0x3FB2] =	sst s4  }
0xd: {  	[smem:$0x3FB3] =	sst s5  }
0xe: {  	[smem:$0x3FB4] =	sst s6  }
0xf: {  	[smem:$0x3FB5] =	sst s7  }
0x10: {  	[smem:$0x3FB6] =	sst s8  }
0x11: {  	[smem:$0x3FB7] =	sst s9;
	s0 =	simm.s32 @!p0 $0x0  }
0x12: {  	s1 =	sld [smem:$0x3F9D];
	s0 =	simm.s32 @p0 $0x1  }
0x13: {  	[smem:$0x3FB8] =	sst s0;
	s0 =	simm.s32 @!p1 $0x0  }
0x14: {  	s2 =	sld [smem:$0x3F9C];
	s0 =	simm.s32 @p1 $0x1  }
0x15: {  	[smem:$0x3FB9] =	sst s0;
	s0 =	simm.s32 @!p2 $0x0  }
0x16: {  	s3 =	sld [smem:$0x3FDB];
	s0 =	simm.s32 @p2 $0x1  }
0x17: {  	s4 =	simm.s32 $0x1BF5;
	[smem:$0x3FBB] =	sst s0  }
0x18: {  	s0 =	sld [smem:$0x3F9E];
	_ =	swait.ge [sflag:s4], $0x0  }
0x19: {  	s7 =	sld [smem:$0x3F9F]  }
0x1a: {  	s8 =	sadd.s32 $0xFFFFE003, lr  }
0x1b: {  	s9 =	sadd.s32 $0xFFFFFEF7, lr;
	s5 =	simm.s32 $0xFFFFFFFF;
	p2 =	slt.u32 s8, $0xFFFFF086  }
0x1c: {  	p1 =	slt.u32 s9, $0xF7A;
	s5 =	simm.s32 @!p2 $0x0  }
0x1d: {  	s5 =	simm.s32 @p1 $0x1;
	p0 =	seq.s32 s7, s2  }
0x1e: {  	s7 =	smul.u32 @!p0 $0xF7A, s2;
	p2 =	seq.s32 @!p0 s5, $0x0  }
0x1f: {  	s9 =	smul.u32 $0xF7A, s1;
	s8 =	simm.s32 @!p0 $0x1BF5;
	p2 =	por !p2, p0  }
0x20: {  	[sflag:s8] =	ssyncset.s32 @!p0 $0xFFFFF086;
	s6 =	sadd.s32 @!p0 s3, s7;
	s7 =	simm.s32 @!p0 $0x108  }
0x21: {  	s3 =	sadd.s32 s3, s9;
	s6 =	sadd.s32 @!p0 $0x88, s6;
	s7 =	simm.s32 @p2 $0x1082  }
0x22: {  	[simem:s7], [sflag:s8] =	dma.local @!p0 [hbm:s6], $0xF7A  }
0x23: {  	s9 =	sor.u32 $0xD0000000, s2;
	s6 =	simm.s32 $0x108;
	_ =	swait.ge @!p0 [sflag:s8], $0x0  }
0x24: {  	s3 =	sadd.s32 $0x88, s3;
	s6 =	simm.s32 @!p1 $0x1082;
	[sflag:s4] =	ssyncset.s32 $0xFFFFF086  }
0x25: {  	[simem:s6], [sflag:s4] =	dma.local [hbm:s3], $0xF7A  }
0x26: {  	[smem:$0x3F9F] =	sst s1;
	(tag) =	ssettag s2;
	_ =	strace s9  }
0x27: {  	s1 =	sld [smem:$0x3FAF]  }
0x28: {  	s2 =	sld [smem:$0x3FB0]  }
0x29: {  	s4 =	sld [smem:$0x3FB2]  }
0x2a: {  	p0 =	seq.s32 s5, $0x0;
	s5 =	sld [smem:$0x3FB3]  }
0x2b: {  	s6 =	sld [smem:$0x3FB4]  }
0x2c: {  	s7 =	sld [smem:$0x3FB5]  }
0x2d: {  	s3 =	simm.s32 $0x108;
	s8 =	sld [smem:$0x3FB6]  }
0x2e: {  	s3 =	simm.s32 @!p0 $0x1082;
	s9 =	sld [smem:$0x3FB7]  }
0x2f: {  	lr =	sadd.s32 s0, s3;
	s0 =	sld [smem:$0x3FAE]  }
0x30: {  	s3 =	sld [smem:$0x3FB1]  }
0x31: {  	[smem:$0x3FBA] =	sst s10  }
0x32: {  	s10 =	sld [smem:$0x3FB8];
	_ =	sdelay $0x3  }
0x33: {  	p0 =	seq.s32 s10, $0x1;
	s10 =	sld [smem:$0x3FBA];
	_ =	sdelay $0x3  }
0x34: {  	[smem:$0x3FBA] =	sst s10  }
0x35: {  	s10 =	sld [smem:$0x3FB9];
	_ =	sdelay $0x3  }
0x36: {  	p1 =	seq.s32 s10, $0x1;
	s10 =	sld [smem:$0x3FBA];
	_ =	sdelay $0x3  }
0x37: {  	[smem:$0x3FBA] =	sst s10  }
0x38: {  	s10 =	sld [smem:$0x3FBB]  }
0x39: {  	_ = 	snop;
	(pc) =	sbr.ind lr, $3  }
0x3a: {  	_ = 	snop  }
0x3b: {  	_ = 	snop  }
0x3c: {  	p2 =	seq.s32 s10, $0x1;
	s10 =	sld [smem:$0x3FBA]  }
0x3d: {  	_ =	shalt  }
0x3e: {  	_ =	shalt  }
0x3f: {  	_ =	shalt  }
0x40: {  	_ =	shalt  }
0x41: {  	_ =	shalt  }
0x42: {  	_ =	shalt  }
0x43: {  	_ =	shalt  }
0x44: {  	_ =	shalt  }
0x45: {  	_ =	shalt  }
0x46: {  	_ =	shalt  }
0x47: {  	_ =	shalt  }
0x48: {  	_ =	shalt  }
0x49: {  	_ =	shalt  }
0x4a: {  	_ =	shalt  }
0x4b: {  	_ =	shalt  }
0x4c: {  	_ =	shalt  }
0x4d: {  	_ =	shalt  }
0x4e: {  	_ =	shalt  }
0x4f: {  	_ =	shalt  }
0x50: {  	_ =	shalt  }
0x51: {  	_ =	shalt  }
0x52: {  	_ =	shalt  }
0x53: {  	_ =	shalt  }
0x54: {  	_ =	shalt  }
0x55: {  	_ =	shalt  }
0x56: {  	_ =	shalt  }
0x57: {  	_ =	shalt  }
0x58: {  	_ =	shalt  }
0x59: {  	_ =	shalt  }
0x5a: {  	_ =	shalt  }
0x5b: {  	_ =	shalt  }
0x5c: {  	_ =	shalt  }
0x5d: {  	_ =	shalt  }
0x5e: {  	_ =	shalt  }
0x5f: {  	_ =	shalt  }
0x60: {  	_ =	shalt  }
0x61: {  	_ =	shalt  }
0x62: {  	_ =	shalt  }
0x63: {  	_ =	shalt  }
0x64: {  	_ =	shalt  }
0x65: {  	_ =	shalt  }
0x66: {  	_ =	shalt  }
0x67: {  	_ =	shalt  }
0x68: {  	_ =	shalt  }
0x69: {  	_ =	shalt  }
0x6a: {  	_ =	shalt  }
0x6b: {  	_ =	shalt  }
0x6c: {  	_ =	shalt  }
0x6d: {  	_ =	shalt  }
0x6e: {  	_ =	shalt  }
0x6f: {  	_ =	shalt  }
0x70: {  	_ =	shalt  }
0x71: {  	_ =	shalt  }
0x72: {  	_ =	shalt  }
0x73: {  	_ =	shalt  }
0x74: {  	_ =	shalt  }
0x75: {  	_ =	shalt  }
0x76: {  	_ =	shalt  }
0x77: {  	_ =	shalt  }
0x78: {  	_ =	shalt  }
0x79: {  	_ =	shalt  }
0x7a: {  	_ =	shalt  }
0x7b: {  	_ =	shalt  }
0x7c: {  	_ =	shalt  }
0x7d: {  	_ =	shalt  }
0x7e: {  	_ =	shalt  }
0x7f: {  	_ =	shalt  }
0x80: {  	_ =	shalt  }
0x81: {  	_ =	shalt  }
0x82: {  	_ =	shalt  }
0x83: {  	_ =	shalt  }
0x84: {  	_ =	shalt  }
0x85: {  	_ =	shalt  }
0x86: {  	_ =	shalt  }
0x87: {  	_ =	shalt  }
.Lfunc_end0:
.L_simem_size_0:
called_computation_lowered:
.L_overlay_start_0:
0x88: {  	s2 =	sld [smem:$0x3FD9]  }
0x89: {  	s3 =	sld [smem:$0x3FFE];
	_ =	sdelay $0x1  }
0x8a: {  	s1 =	srdreg.scid  }
0x8b: {  	s0 =	sand.u32 $0x1, s1  }
0x8c: {  	s17 =	sshll.u32 s0, $0xA;
	s2 =	sadd.s32 s3, s2  }
0x8d: {  	s2 =	sadd.s32 s2, s17  }
0x8e: {  	[smem:$0x3FC6] =	sst s2  }
0x8f: {  	_ = 	snop  }
0x90: {  	s2 =	sld [smem:$0x3FC9]  }
0x91: {  	s18 =	sld [smem:$0x3FD0];
	(tm) =	ssettm $0x1  }
0x92: {  	s4 =	sld [smem:$0x3FFB];
	_ =	sdelay $0x3  }
0x93: {  	_ =	strace s4  }
0x94: {  	s4 =	sld [smem:$0x3FFC];
	_ =	sdelay $0x3  }
0x95: {  	_ =	strace s4  }
0x96: {  	s4 =	sld [smem:$0x3FFD];
	_ =	sdelay $0x3  }
0x97: {  	_ =	strace s4  }
0x98: {  	_ =	strace $0x8FFFFFFF  }
0x99: {  	s19 =	sld [smem:$0x3FDB];
	_ =	sdelay $0x1  }
0x9a: {  	s5 =	simm.s32 $_scs_section_size  }
0x9b: {  	s6 =	simm.s32 $_size__tile_overlayer_lowered;
	s7 =	simm.s32 $_tile_overlayer_lowered  }
0x9c: {  	s22 =	simm.s32 $0x1BFF;
	s21 =	sshll.u32 s7, $0x1;
	s4 =	sadd.s32 s5, s19  }
0x9d: {  	s8 =	simm.s32 $0x0;
	s20 =	sshll.u32 s6, $0x1;
	s6 =	sadd.s32 s21, s4  }
0x9e: {  	[timem:s8], [sflag:s22] =	dma.local [hbm:s6], s20  }
0x9f: {  	_ =	swait.ge [sflag:s22], s20  }
0xa0: {  	s5 =	ssub.s32 $0x0, s20;
	[sflag:s22] =	ssyncset.done $0x0  }
0xa1: {  	[sflag:s22] =	ssyncadd.s32 s5;
	_ =	sdelay $0x1  }
0xa2: {  	s23 =	simm.s32 $0x1B8B  }
0xa3: {  	_ =	swait.ge [sflag:s23], $0x1  }
0xa4: {  	[sflag:s23] =	ssyncset.done $0x0  }
0xa5: {  	s25 =	simm.s32 $0x1B8E;
	s24 =	sld [smem:$0x3FFE];
	[sflag:s23] =	ssyncadd.s32 $0xFFFFFFFF  }
0xa6: {  	s26 =	simm.s32 $execute0_lowered;
	[smem:$0x3FD2] =	sst s25  }
0xa7: {  	s6 =	sshll.u32 s26, $0x1;
	_ =	strace $0x80000046;
	[dreg:$0x1] =	wrdreg $0xFFFFFFFF  }
0xa8: {  	s28 =	simm.s32 $_size_execute0_lowered;
	s4 =	sadd.s32 s4, s6;
	[dreg:$0x0] =	wrdreg $0x0  }
0xa9: {  	s6 =	sshll.u32 s28, $0x1;
	[dreg:$0x2] =	wrdreg s4  }
0xaa: {  	[dreg:$0x3] =	wrdreg s6  }
0xab: {  	[dreg:$0x4] =	wrdreg $0xC0  }
0xac: {  	_ =	task [dreg:s8], $0x5FFFF  }
0xad: {  	[dreg:$0x1] =	wrdreg $0xFFFFFFFF  }
0xae: {  	[dreg:$0x0] =	wrdreg $0x60  }
0xaf: {  	[dreg:$0x2] =	wrdreg s2  }
0xb0: {  	[dreg:$0x3] =	wrdreg s24  }
0xb1: {  	[dreg:$0x4] =	wrdreg s18  }
0xb2: {  	[dreg:$0x5] =	wrdreg $0x9  }
0xb3: {  	_ =	task.clear_ibuf [dreg:s8], $0x6FFFF;
	_ =	strace $0x90000046  }
0xb4: {  	s29 =	simm.s32 $0x9;
	_ =	strace $0x80000048  }
0xb5: {  	_ =	swait.ge [sflag:s29], $0x1  }
0xb6: {  	[sflag:s29] =	ssyncadd.s32 $0xFFFFFFFF  }
0xb7: {  	_ =	strace $0x90000048  }
0xb8: {  	_ =	sfence  }
0xb9: {  	s30 =	sld [smem:$0x0];
	_ =	sdelay $0x2  }
0xba: {  	s31 =	sshll.u32 s1, $0xD;
	s1 =	sshrl.u32 s1, $0x2  }
0xbb: {  	s3 =	sand.u32 $0x4000, s31;
	s1 =	sadd.s32 s1, s30  }
0xbc: {  	s0 =	sor.u32 s3, s0;
	s1 =	sshll.u32 s1, $0x11  }
0xbd: {  	s0 =	sor.u32 s1, s0  }
0xbe: {  	s0 =	sadd.s32 $0x8F2B, s0  }
0xbf: {  	[sflag:s0] =	ssyncadd.remote.s32 $0x1  }
0xc0: {  	_ =	sfence.sel $0xFFFF  }
0xc1: {  	[dreg:$0x0] =	wrdreg $0xFFFFFFFF;
	(pc) =	sbr.abs _section_cstart, $3  }
0xc2: {  	[dreg:$0x1] =	wrdreg $0xFFFFFFFF  }
0xc3: {  	_ =	task.clear_ibuf [dreg:s8], $0x2FFFF;
	_ =	strace $0x9FFFFFFF  }
0xc4: {  	(tm) =	ssettm $0x7FFFFFFF  }
0xc5: {  	_ =	shalt  }
tec
execute0_lowered:
.L_overlay_start_1:
0x0: {  	(tag) =	ssettag $0x1  }
0x1: {  	s1 =	rddreg [dreg:$0x0]  }
0x2: {  	s0 =	rddreg [dreg:$0x1];
	s2 =	srdreg.scid  }
0x3: {  	s12 =	stileid.u32;
	s11 =	rddreg [dreg:$0x2]  }
0x4: {  	s3 =	simm.s32 $0x0;
	s13 =	simm.s32 $0x80;
	s14 =	simm.s32 $0x6400  }
0x5: {  	s15 =	simm.s32 $0xA400;
	s16 =	simm.s32 $0x1;
	s17 =	simm.s32 $0x2  }
0x6: {  	s19 =	simm.s32 $0xE400;
	s21 =	simm.s32 $0x12400;
	s23 =	smul.u32 $0x640000, s12  }
0x7: {  	s2 =	sand.u32 $0x1, s2;
	s4 =	sshll.u32 s12, $0x1;
	s12 =	smul.u32 $0xC8000, s12  }
0x8: {  	s28 =	simm.s32 $0x6;
	s29 =	simm.s32 $0x6300;
	s25 =	smul.u32 $0x320000, s2  }
0x9: {  	s4 =	sor.u32 s2, s4;
	s6 =	ssub.s32 $0x2, s2;
	s2 =	smul.u32 $0x64000, s2  }
0xa: {  	s30 =	simm.s32 $0x6380;
	[smem:$0x7FF] =	sst s3;
	s5 =	smul.u32 $0xC80, s4  }
0xb: {  	s31 =	simm.s32 $0x0;
	_ =	strace $0x80000047;
	s7 =	smul.u32 $0x64000, s4  }
0xc: {  	s22 =	sshrl.u32 s6, $0x1;
	s8 =	smul.u32 $0x320000, s4;
	s26 =	sadd.s32 s12, s11  }
0xd: {  	s12 =	simm.s32 $0x7;
	s9 =	ssub.s32 s6, s22;
	s2 =	sadd.s32 s2, s26  }
0xe: {  	s22 =	simm.s32 $0x3;
	s26 =	simm.s32 $0x280;
	s0 =	sadd.s32 s5, s0  }
0xf: {  	s5 =	sadd.s32 s11, s7;
	s24 =	sshrl.u32 s8, $0x3;
	s9 =	smax.u32 s9, $0x1  }
0x10: {  	s4 =	sadd.s32 $0x400, s0;
	s6 =	sadd.s32 $0x1000, s5;
	s0 =	sadd.s32 s25, s23  }
0x11: {  	s10 =	sadd.s32 s11, s24;
	s23 =	simm.s32 $0x4;
	s0 =	sor.u32 $0x18000, s0  }
0x12: {  	s24 =	simm.s32 $0x5;
	s7 =	sadd.s32 $0x62000, s10;
	s0 =	sshrl.u32 s0, $0x3  }
0x13: {  	s8 =	sadd.s32 $0x63000, s10;
	s10 =	sadd.s32 $0x2000, s2;
	s11 =	sadd.s32 s0, s11  }
.LBB2_1:
0x14: {  	[tilespmem:s3], [sflag:$0x7] =	stream.linear.gather [hbm4b:s4+s3], $0x6400, $0x38;
	[tilespmem:$0x16400] =	vst v63  }
0x15: {  	_ =	swait.ge [sflag:s12], $0x6400  }
0x16: {  	[sflag:s12] =	ssyncset.done $0x0  }
0x17: {  	[sflag:s12] =	ssyncadd.s32 $0xFFFF9C00  }
0x18: {  	[tilespmem:s14], [sflag:$0x1] =	stream.indirect.gather [hbm4b:s1+s13], $0x80, s3, s13, $0xb8;
	[tilespmem:$0x16400] =	vst v63  }
0x19: {  	_ = 	snop  }
0x1a: {  	[tilespmem:s15], [sflag:$0x2] =	stream.indirect.gather [hbm4b:s1+s13], $0x80, s13, s13, $0xb8;
	[tilespmem:$0x16400] =	vst v63  }
0x1b: {  	_ =	swait.ge [sflag:s16], $0x4000  }
0x1c: {  	[sflag:s16] =	ssyncset.done $0x0  }
0x1d: {  	[sflag:s16] =	ssyncadd.s32 $0xFFFFC000  }
0x1e: {  	_ =	swait.ge [sflag:s17], $0x4000  }
0x1f: {  	[sflag:s17] =	ssyncset.done $0x0  }
0x20: {  	[sflag:s17] =	ssyncadd.s32 $0xFFFFC000  }
0x21: {  	[hbm4b:s5+s3] =	stream.linear.scatter [tilespmem:s14], [sflag:$0x5], $0x8000, $0x38;
	[tilespmem:$0x16400] =	vst v63  }
0x22: {  	s0 =	simm.s32 $0x100  }
0x23: {  	[tilespmem:s19], [sflag:$0x3] =	stream.indirect.gather [hbm4b:s1+s13], $0x80, s0, s13, $0xb8;
	[tilespmem:$0x16400] =	vst v63  }
0x24: {  	s25 =	simm.s32 $0x180  }
0x25: {  	[tilespmem:s21], [sflag:$0x4] =	stream.indirect.gather [hbm4b:s1+s13], $0x80, s25, s13, $0xb8;
	[tilespmem:$0x16400] =	vst v63  }
0x26: {  	_ =	swait.ge [sflag:s22], $0x4000  }
0x27: {  	[sflag:s22] =	ssyncset.done $0x0  }
0x28: {  	[sflag:s22] =	ssyncadd.s32 $0xFFFFC000  }
0x29: {  	_ =	swait.ge [sflag:s23], $0x4000  }
0x2a: {  	[sflag:s23] =	ssyncset.done $0x0  }
0x2b: {  	[sflag:s23] =	ssyncadd.s32 $0xFFFFC000  }
0x2c: {  	[hbm4b:s6+s3] =	stream.linear.scatter [tilespmem:s19], [sflag:$0x6], $0x8000, $0x38;
	[tilespmem:$0x16400] =	vst v63  }
0x2d: {  	_ =	swait.ge [sflag:s24], $0x8000  }
0x2e: {  	[sflag:s24] =	ssyncset.done $0x0  }
0x2f: {  	s2 =	simm.s32 $0x200;
	[sflag:s24] =	ssyncadd.s32 $0xFFFF8000  }
0x30: {  	[tilespmem:s14], [sflag:$0x1] =	stream.indirect.gather [hbm4b:s1+s13], $0x80, s2, s13, $0xb8;
	[tilespmem:$0x16400] =	vst v63  }
0x31: {  	_ = 	snop  }
0x32: {  	[tilespmem:s15], [sflag:$0x2] =	stream.indirect.gather [hbm4b:s1+s13], $0x80, s26, s13, $0xb8;
	[tilespmem:$0x16400] =	vst v63  }
0x33: {  	_ =	swait.ge [sflag:s16], $0x4000  }
0x34: {  	[sflag:s16] =	ssyncset.done $0x0  }
0x35: {  	[sflag:s16] =	ssyncadd.s32 $0xFFFFC000  }
0x36: {  	_ =	swait.ge [sflag:s17], $0x4000  }
0x37: {  	[sflag:s17] =	ssyncset.done $0x0  }
0x38: {  	[sflag:s17] =	ssyncadd.s32 $0xFFFFC000  }
0x39: {  	[hbm4b:s10+s3] =	stream.linear.scatter [tilespmem:s14], [sflag:$0x5], $0x8000, $0x38;
	[tilespmem:$0x16400] =	vst v63  }
0x3a: {  	_ =	swait.ge [sflag:s28], $0x8000  }
0x3b: {  	[sflag:s28] =	ssyncset.done $0x0  }
0x3c: {  	s18 =	simm.s32 $0x300;
	[sflag:s28] =	ssyncadd.s32 $0xFFFF8000  }
0x3d: {  	[tilespmem:s19], [sflag:$0x3] =	stream.indirect.gather [hbm4b:s1+s13], $0x80, s18, s13, $0xb8;
	[tilespmem:$0x16400] =	vst v63  }
0x3e: {  	s20 =	simm.s32 $0x380  }
0x3f: {  	[tilespmem:s21], [sflag:$0x4] =	stream.indirect.gather [hbm4b:s1+s13], $0x80, s20, s13, $0xb8;
	[tilespmem:$0x16400] =	vst v63  }
0x40: {  	_ =	swait.ge [sflag:s22], $0x4000  }
0x41: {  	[sflag:s22] =	ssyncset.done $0x0  }
0x42: {  	[sflag:s22] =	ssyncadd.s32 $0xFFFFC000  }
0x43: {  	_ =	swait.ge [sflag:s23], $0x4000  }
0x44: {  	[sflag:s23] =	ssyncset.done $0x0  }
0x45: {  	[sflag:s23] =	ssyncadd.s32 $0xFFFFC000  }
0x46: {  	[hbm4b:s11+s3] =	stream.linear.scatter [tilespmem:s19], [sflag:$0x6], $0x8000, $0x38;
	[tilespmem:$0x16400] =	vst v63  }
0x47: {  	s0 =	sadd.s32 $0x2000, s10;
	_ =	swait.ge [sflag:s24], $0x8000  }
0x48: {  	s25 =	simm.s32 $0x400;
	s2 =	simm.s32 $0x800;
	[sflag:s24] =	ssyncset.done $0x0  }
0x49: {  	s18 =	sadd.s32 $0x2000, s11;
	s20 =	simm.s32 $0x480;
	[sflag:s24] =	ssyncadd.s32 $0xFFFF8000  }
0x4a: {  	[tilespmem:s14], [sflag:$0x1] =	stream.indirect.gather [hbm4b:s1+s13], $0x80, s25, s13, $0xb8;
	[tilespmem:$0x16400] =	vst v63  }
.LBB2_2:
0x4b: {  	[tilespmem:s15], [sflag:$0x2] =	stream.indirect.gather [hbm4b:s1+s13], $0x80, s20, s13, $0xb8;
	[tilespmem:$0x16400] =	vst v63  }
0x4c: {  	s20 =	smov.u32 s2  }
0x4d: {  	p0 =	sne.s32 s2, $0x17800;
	s2 =	sadd.s32 $0x800, s2;
	_ =	swait.ge [sflag:s16], $0x4000  }
0x4e: {  	[sflag:s16] =	ssyncset.done $0x0  }
0x4f: {  	[sflag:s16] =	ssyncadd.s32 $0xFFFFC000  }
0x50: {  	_ =	swait.ge [sflag:s17], $0x4000  }
0x51: {  	[sflag:s17] =	ssyncset.done $0x0  }
0x52: {  	[sflag:s17] =	ssyncadd.s32 $0xFFFFC000  }
0x53: {  	[hbm4b:s0+s3] =	stream.linear.scatter [tilespmem:s14], [sflag:$0x5], $0x8000, $0x38;
	[tilespmem:$0x16400] =	vst v63  }
0x54: {  	_ =	swait.ge [sflag:s28], $0x8000  }
0x55: {  	s20 =	sshra.s32 s20, $0x2;
	[sflag:s28] =	ssyncset.done $0x0  }
0x56: {  	s25 =	sadd.s32 $0x300, s20;
	[sflag:s28] =	ssyncadd.s32 $0xFFFF8000  }
0x57: {  	[tilespmem:s19], [sflag:$0x3] =	stream.indirect.gather [hbm4b:s1+s13], $0x80, s25, s13, $0xb8;
	[tilespmem:$0x16400] =	vst v63  }
0x58: {  	s25 =	sadd.s32 $0x380, s20  }
0x59: {  	[tilespmem:s21], [sflag:$0x4] =	stream.indirect.gather [hbm4b:s1+s13], $0x80, s25, s13, $0xb8;
	[tilespmem:$0x16400] =	vst v63  }
0x5a: {  	_ =	swait.ge [sflag:s22], $0x4000  }
0x5b: {  	[sflag:s22] =	ssyncset.done $0x0  }
0x5c: {  	[sflag:s22] =	ssyncadd.s32 $0xFFFFC000  }
0x5d: {  	_ =	swait.ge [sflag:s23], $0x4000  }
0x5e: {  	[sflag:s23] =	ssyncset.done $0x0  }
0x5f: {  	[sflag:s23] =	ssyncadd.s32 $0xFFFFC000  }
0x60: {  	[hbm4b:s18+s3] =	stream.linear.scatter [tilespmem:s19], [sflag:$0x6], $0x8000, $0x38;
	[tilespmem:$0x16400] =	vst v63  }
.Ltmp0:
0x61: {  	_ =	swait.ge [sflag:s24], $0x8000;
	(pc) =	sbr.rel @p0 .LBB2_2-.Ltmp0, $4  }
0x62: {  	[sflag:s24] =	ssyncset.done $0x0  }
0x63: {  	s25 =	sadd.s32 $0x400, s20;
	[sflag:s24] =	ssyncadd.s32 $0xFFFF8000  }
0x64: {  	[tilespmem:s14], [sflag:$0x1] =	stream.indirect.gather [hbm4b:s1+s13], $0x80, s25, s13, $0xb8;
	[tilespmem:$0x16400] =	vst v63  }
0x65: {  	s0 =	sadd.s32 $0x2000, s0;
	s20 =	sadd.s32 $0x480, s20;
	s18 =	sadd.s32 $0x2000, s18  }
0x66: {  	[tilespmem:s15], [sflag:$0x2] =	stream.indirect.gather [hbm4b:s1+s13], $0x80, s20, s13, $0xb8;
	[tilespmem:$0x16400] =	vst v63  }
0x67: {  	_ =	swait.ge [sflag:s16], $0x4000  }
0x68: {  	[sflag:s16] =	ssyncset.done $0x0  }
0x69: {  	[sflag:s16] =	ssyncadd.s32 $0xFFFFC000  }
0x6a: {  	_ =	swait.ge [sflag:s17], $0x4000  }
0x6b: {  	[sflag:s17] =	ssyncset.done $0x0  }
0x6c: {  	[sflag:s17] =	ssyncadd.s32 $0xFFFFC000  }
0x6d: {  	[hbm4b:s7+s3] =	stream.linear.scatter [tilespmem:s14], [sflag:$0x5], $0x8000, $0x38;
	[tilespmem:$0x16400] =	vst v63  }
0x6e: {  	_ =	swait.ge [sflag:s28], $0x8000  }
0x6f: {  	[sflag:s28] =	ssyncset.done $0x0  }
0x70: {  	[sflag:s28] =	ssyncadd.s32 $0xFFFF8000  }
0x71: {  	[tilespmem:s19], [sflag:$0x3] =	stream.indirect.gather [hbm4b:s1+s13], $0x80, s29, s13, $0xb8;
	[tilespmem:$0x16400] =	vst v63  }
0x72: {  	_ = 	snop  }
0x73: {  	[tilespmem:s21], [sflag:$0x4] =	stream.indirect.gather [hbm4b:s1+s13], $0x80, s30, s13, $0xb8;
	[tilespmem:$0x16400] =	vst v63  }
0x74: {  	_ =	swait.ge [sflag:s22], $0x4000  }
0x75: {  	[sflag:s22] =	ssyncset.done $0x0  }
0x76: {  	[sflag:s22] =	ssyncadd.s32 $0xFFFFC000  }
0x77: {  	_ =	swait.ge [sflag:s23], $0x4000  }
0x78: {  	[sflag:s23] =	ssyncset.done $0x0  }
0x79: {  	s31 =	sadd.s32 $0x1, s31;
	[sflag:s23] =	ssyncadd.s32 $0xFFFFC000  }
0x7a: {  	[hbm4b:s8+s3] =	stream.linear.scatter [tilespmem:s19], [sflag:$0x6], $0x8000, $0x38;
	[tilespmem:$0x16400] =	vst v63  }
0x7b: {  	p0 =	sne.s32 s31, s9;
	_ =	swait.ge [sflag:s24], $0x8000  }
.Ltmp1:
0x7c: {  	[sflag:s24] =	ssyncset.done $0x0;
	(pc) =	sbr.rel @p0 .LBB2_1-.Ltmp1, $4  }
0x7d: {  	[sflag:s24] =	ssyncadd.s32 $0xFFFF8000  }
0x7e: {  	_ =	swait.ge [sflag:s28], $0x8000  }
0x7f: {  	[sflag:s28] =	ssyncset.done $0x0  }
0x80: {  	[sflag:s28] =	ssyncadd.s32 $0xFFFF8000  }
0x81: {  	_ =	sfence.sel $0x180000  }
0x82: {  	[bflag:$0x0] =	sbarrier.arrive $0xFFFF  }
0x83: {  	_ =	strace $0x90000047  }
0x84: {  	s0 =	stileid.u32;
	[bflag:$0x2] =	sbarrier.arrive $0xFFFF  }
0x85: {  	p0 =	sne.s32 s0, $0x0;
	s0 =	rddreg [dreg:$0x3]  }
0x86: {  	s0 =	sadd.s32 @!p0 $0x100000, s0  }
0x87: {  	[sflag:s0] =	ssyncadd.tile.s32 @!p0 $0x1;
	_ =	shalt  }
.Lfunc_end2:
_tile_overlayer_lowered:
.L_overlay_start_2:
0x88: {  	(tag) =	ssettag $0x2  }
0x89: {  	s0 =	rddreg [dreg:$0x0];
	s2 =	stileid.u32  }
0x8a: {  	s1 =	rddreg [dreg:$0x1];
	p0 =	sne.s32 s2, $0x0  }
0x8b: {  	s3 =	rddreg [dreg:$0x2];
	[bflag:$0x3] =	sbarrier.arrive $0xFFFF;
	s2 =	simm.s32 @!p0 $0x1C07  }
0x8c: {  	[timem:s3], [sflag:s2] =	dma.local @!p0 [hbm:s0], s1  }
0x8d: {  	s0 =	simm.s32 @!p0 $0x7  }
0x8e: {  	_ =	swait.ge @!p0 [sflag:s0], s1  }
0x8f: {  	s1 =	ssub.s32 @!p0 $0x0, s1;
	[sflag:s0] =	ssyncset.done @!p0 $0x0  }
0x90: {  	[sflag:s0] =	ssyncadd.s32 @!p0 s1  }
0x91: {  	[bflag:$0x3] =	sbarrier.arrive $0xFFFF  }
0x92: {  	_ =	shalt  }

</sc_bundles>
